<compile_context>
chip_gen: v7x
topology: tpu7x:2x2x1
jax: 0.10.2.dev20260603
libtpu: 0.0.44.dev20260713+nightly
codegen_flags: <defaults>
</compile_context>

<pallas_src>
import functools

import jax
import jax.numpy as jnp
from jax import lax
from jax.experimental import pallas as pl
from jax.experimental.pallas import tpu as pltpu



def _ka_body(feat_ref, Wk_ref, Wv_ref, Wp2_ref, Wo_ref, bv_ref, bp2_ref,
             bo_ref, g_ref, ks_ref, M1_ref, M2_ref, cvec_ref, wp2s_ref):
    feat = feat_ref[...]
    wks = jnp.sum(Wk_ref[...], axis=1)
    ks_ref[...] = jnp.dot(feat, wks[:, None],
                          preferred_element_type=jnp.float32)
    g = g_ref[...]
    Wo = Wo_ref[...]
    M1_ref[...] = g * jnp.dot(Wv_ref[...], Wo, preferred_element_type=jnp.float32)
    M2_ref[...] = g * jnp.dot(Wp2_ref[...], Wo, preferred_element_type=jnp.float32)
    cvec_ref[...] = g * (jnp.dot(bv_ref[...] + bp2_ref[...], Wo,
                                 preferred_element_type=jnp.float32) + bo_ref[...])
    wp2s_ref[...] = jnp.sum(Wp2_ref[...], axis=1)[None, :]


def _stage_a(feat2d, Wk, Wv, Wp2, Wo, bv, bp2, bo, gamma):
    BN, D = feat2d.shape
    out_shapes = (
        jax.ShapeDtypeStruct((BN, 1), jnp.float32),
        jax.ShapeDtypeStruct((D, D), jnp.float32),
        jax.ShapeDtypeStruct((D, D), jnp.float32),
        jax.ShapeDtypeStruct((1, D), jnp.float32),
        jax.ShapeDtypeStruct((1, D), jnp.float32),
    )
    return pl.pallas_call(_ka_body, out_shape=out_shapes)(
        feat2d, Wk, Wv, Wp2, Wo, bv[None, :], bp2[None, :], bo[None, :],
        gamma.reshape(1, 1))



def _kc_body(relx_ref, rely_ref, relz_ref, kssel_ref, Wp1_ref, bp1_ref,
             wp2s_ref, attn_ref, aggH_ref):
    rx = relx_ref[...]
    ry = rely_ref[...]
    rz = relz_ref[...]
    Wp1 = Wp1_ref[...]
    bp1 = bp1_ref[...]
    wp2s = wp2s_ref[...]
    h = jnp.maximum(
        rx[:, :, None] * Wp1[0][None, None, :]
        + ry[:, :, None] * Wp1[1][None, None, :]
        + rz[:, :, None] * Wp1[2][None, None, :]
        + bp1[0][None, None, :], 0.0)
    ps = jnp.sum(h * wp2s[0][None, None, :], axis=-1)
    logit = ps - kssel_ref[...]
    m = jnp.max(logit, axis=-1, keepdims=True)
    e = jnp.exp(logit - m)
    attn = e / jnp.sum(e, axis=-1, keepdims=True)
    attn_ref[...] = attn
    aggH_ref[...] = jnp.sum(attn[:, :, None] * h, axis=1)


def _stage_c(relx, rely, relz, ks_sel, Wp1, bp1, wp2s):
    BN, K = relx.shape
    D = Wp1.shape[1]
    BLK = 256
    grid = (BN // BLK,)
    bs_rows = pl.BlockSpec((BLK, K), lambda i: (i, 0))
    bs_full3 = pl.BlockSpec((3, D), lambda i: (0, 0))
    bs_full1 = pl.BlockSpec((1, D), lambda i: (0, 0))
    return pl.pallas_call(
        _kc_body,
        grid=grid,
        in_specs=[bs_rows, bs_rows, bs_rows, bs_rows, bs_full3, bs_full1,
                  bs_full1],
        out_specs=[pl.BlockSpec((BLK, K), lambda i: (i, 0)),
                   pl.BlockSpec((BLK, D), lambda i: (i, 0))],
        out_shape=(jax.ShapeDtypeStruct((BN, K), jnp.float32),
                   jax.ShapeDtypeStruct((BN, D), jnp.float32)),
    )(relx, rely, relz, ks_sel, Wp1, bp1, wp2s)



def _ke_body(feat_ref, aggF_ref, aggH_ref, M1_ref, M2_ref, cvec_ref, out_ref):
    out_ref[...] = (feat_ref[...]
                    + jnp.dot(aggF_ref[...], M1_ref[...],
                              preferred_element_type=jnp.float32)
                    + jnp.dot(aggH_ref[...], M2_ref[...],
                              preferred_element_type=jnp.float32)
                    + cvec_ref[...])


def _stage_e(feat2d, aggF, aggH, M1, M2, cvec):
    BN, D = feat2d.shape
    BLK = 2048
    grid = (BN // BLK,)
    bs_rows = pl.BlockSpec((BLK, D), lambda i: (i, 0))
    bs_w = pl.BlockSpec((D, D), lambda i: (0, 0))
    bs_c = pl.BlockSpec((1, D), lambda i: (0, 0))
    return pl.pallas_call(
        _ke_body,
        grid=grid,
        in_specs=[bs_rows, bs_rows, bs_rows, bs_w, bs_w, bs_c],
        out_specs=pl.BlockSpec((BLK, D), lambda i: (i, 0)),
        out_shape=jax.ShapeDtypeStruct((BN, D), jnp.float32),
    )(feat2d, aggF, aggH, M1, M2, cvec)



def kernel(xyz, feat, Wq, bq, Wk, bk, Wv, bv, Wp1, bp1, Wp2, bp2, Wo, bo, gamma):
    del Wq, bq, bk
    return _run2(xyz, feat, Wk, Wv, bv, Wp1, bp1, Wp2, bp2, Wo, bo, gamma)


@jax.jit
def _run2(xyz, feat, Wk, Wv, bv, Wp1, bp1, Wp2, bp2, Wo, bo, gamma):
    B, N, D = feat.shape
    K = 64
    BN = B * N
    feat2d = feat.reshape(BN, D)

    ks, M1, M2, cvec, wp2s = _stage_a(feat2d, Wk, Wv, Wp2, Wo, bv, bp2, bo,
                                      gamma)

    dist = (jnp.sum(xyz ** 2, -1)[:, :, None]
            + jnp.sum(xyz ** 2, -1)[:, None, :]
            - 2.0 * jnp.einsum('bnc,bmc->bnm', xyz, xyz))
    _, knn = jax.lax.top_k(-dist, K)
    gknn = (knn + (jnp.arange(B, dtype=knn.dtype)[:, None, None] * N)
            ).reshape(BN, K)
    nxyz = xyz.reshape(BN, 3)[gknn]
    rel = xyz.reshape(BN, 3)[:, None, :] - nxyz
    relx, rely, relz = rel[..., 0], rel[..., 1], rel[..., 2]
    ks_sel = ks[:, 0][gknn]

    attn, aggH = _stage_c(relx, rely, relz, ks_sel, Wp1, bp1[None, :], wp2s)

    nf = feat2d[gknn]
    aggF = jnp.einsum('nk,nkd->nd', attn, nf)

    out = _stage_e(feat2d, aggF, aggH, M1, M2, cvec)
    return out.reshape(B, N, D)

# --- scband reference (transcript-rebuilt; emitter-appended) ---
"""Pipeline reference for scband-point-transformer-layer-34308198761275 (READ-ONLY COPY).

The authoritative reference and input builder live on the scoring server;
editing this copy changes nothing except your own understanding.
"""

import jax, jax.numpy as jnp
import numpy as np

B, N, D, K = 4, 2048, 64, 64


def square_distance(src, dst):
    return (jnp.sum(src ** 2, -1)[:, :, None]
            + jnp.sum(dst ** 2, -1)[:, None, :]
            - 2.0 * jnp.einsum('bnc,bmc->bnm', src, dst))


def index_points(points, idx):
    # points: [B, N, C], idx: [B, N, K] -> [B, N, K, C]
    return jax.vmap(lambda p, i: p[i])(points, idx)


def setup_inputs(seed: int = 0) -> dict:
    key = jax.random.key(seed)
    ks = jax.random.split(key, 16)
    xyz = jax.random.uniform(ks[0], (B, N, 3), dtype=jnp.float32)
    feat = jax.random.normal(ks[1], (B, N, D), dtype=jnp.float32)
    s = 1.0 / np.sqrt(D)
    Wq = jax.random.normal(ks[2], (D, D), dtype=jnp.float32) * s
    bq = jnp.zeros((D,), jnp.float32)
    Wk = jax.random.normal(ks[3], (D, D), dtype=jnp.float32) * s
    bk = jnp.zeros((D,), jnp.float32)
    Wv = jax.random.normal(ks[4], (D, D), dtype=jnp.float32) * s
    bv = jnp.zeros((D,), jnp.float32)
    Wp1 = jax.random.normal(ks[5], (3, D), dtype=jnp.float32) * (1.0 / np.sqrt(3.0))
    bp1 = jnp.zeros((D,), jnp.float32)
    Wp2 = jax.random.normal(ks[6], (D, D), dtype=jnp.float32) * s
    bp2 = jnp.zeros((D,), jnp.float32)
    Wo = jax.random.normal(ks[7], (D, D), dtype=jnp.float32) * s
    bo = jnp.zeros((D,), jnp.float32)
    gamma = jnp.full((1,), 0.1, jnp.float32)
    return {"xyz": xyz, "feat": feat, "Wq": Wq, "bq": bq, "Wk": Wk, "bk": bk,
            "Wv": Wv, "bv": bv, "Wp1": Wp1, "bp1": bp1, "Wp2": Wp2, "bp2": bp2,
            "Wo": Wo, "bo": bo, "gamma": gamma}


def reference(xyz, feat, Wq, bq, Wk, bk, Wv, bv, Wp1, bp1, Wp2, bp2, Wo, bo, gamma):
    dist = square_distance(xyz, xyz)
    _, knn_idx = jax.lax.top_k(-dist, K)  # indices of K smallest distances
    neighbor_xyz = index_points(xyz, knn_idx)      # [B, N, K, 3]
    neighbor_feat = index_points(feat, knn_idx)    # [B, N, K, D]
    q = (feat @ Wq + bq)[:, :, None, :]            # [B, N, 1, D]
    k = neighbor_feat @ Wk + bk                    # [B, N, K, D]
    v = neighbor_feat @ Wv + bv                    # [B, N, K, D]
    rel_pos = xyz[:, :, None, :] - neighbor_xyz    # [B, N, K, 3]
    pos_enc = jax.nn.relu(rel_pos @ Wp1 + bp1) @ Wp2 + bp2  # [B, N, K, D]
    attn = jax.nn.softmax(jnp.sum(q - k + pos_enc, axis=-1, keepdims=True), axis=-2)
    agg = jnp.sum(attn * (v + pos_enc), axis=2)    # [B, N, D]
    out = agg @ Wo + bo
    return feat + gamma * out

if __name__ == "__main__":
    import jax
    _d = setup_inputs()
    print(jax.jit(kernel)(*tuple(_d.values())))

</pallas_src>

<mosaic_0001>
module attributes {stable_mosaic.version = 14 : i64} {
  func.func @_ka_body(%arg0: memref<8192x64xf32, #tpu.memory_space<vmem>>, %arg1: memref<64x64xf32, #tpu.memory_space<vmem>>, %arg2: memref<64x64xf32, #tpu.memory_space<vmem>>, %arg3: memref<64x64xf32, #tpu.memory_space<vmem>>, %arg4: memref<64x64xf32, #tpu.memory_space<vmem>>, %arg5: memref<1x64xf32, #tpu.memory_space<vmem>>, %arg6: memref<1x64xf32, #tpu.memory_space<vmem>>, %arg7: memref<1x64xf32, #tpu.memory_space<vmem>>, %arg8: memref<1x1xf32, #tpu.memory_space<vmem>>, %arg9: memref<8192x1xf32, #tpu.memory_space<vmem>>, %arg10: memref<64x64xf32, #tpu.memory_space<vmem>>, %arg11: memref<64x64xf32, #tpu.memory_space<vmem>>, %arg12: memref<1x64xf32, #tpu.memory_space<vmem>>, %arg13: memref<1x64xf32, #tpu.memory_space<vmem>>) attributes {dimension_semantics = [], scalar_prefetch = 0 : i64, scratch_operands = 0 : i64, tpu.core_type = #tpu.core_type<tc>} {
    %get3A = arith.constant 0 : index
    %get3A_0 = arith.constant 0 : index
    %get3A_1 = vector.load %arg0[%get3A, %get3A_0] : memref<8192x64xf32, #tpu.memory_space<vmem>>, vector<8192x64xf32>
    %get3A_2 = arith.constant 0 : index
    %get3A_3 = arith.constant 0 : index
    %get3A_4 = vector.load %arg1[%get3A_2, %get3A_3] : memref<64x64xf32, #tpu.memory_space<vmem>>, vector<64x64xf32>
    %reduce_sum3A = arith.constant dense<0.000000e+00> : vector<64xf32>
    %reduce_sum3A_5 = vector.multi_reduction <add>, %get3A_4, %reduce_sum3A [1] : vector<64x64xf32> to vector<64xf32>
    %broadcast_in_dim3A = vector.shape_cast %reduce_sum3A_5 : vector<64xf32> to vector<64x1xf32>
    %dot_general3A = arith.constant dense<0.000000e+00> : vector<8192x1xf32>
    %dot_general3A_6 = tpu.matmul %get3A_1, %broadcast_in_dim3A, %dot_general3A {dimension_numbers = #tpu.dot_dimension_numbers<[1], [0], [0], [1], [0, 0, 1, 1], [], []>, transpose_lhs_hint = false} : vector<8192x64xf32>, vector<64x1xf32>, vector<8192x1xf32> -> vector<8192x1xf32>
    %swap3A = arith.constant 0 : index
    %swap3A_7 = arith.constant 0 : index
    %swap3A_8 = vector.load %arg9[%swap3A, %swap3A_7] : memref<8192x1xf32, #tpu.memory_space<vmem>>, vector<8192x1xf32>
    tpu.vector_store %arg9[%swap3A, %swap3A_7], %dot_general3A_6 {strides = array<i32>} : memref<8192x1xf32, #tpu.memory_space<vmem>>, vector<8192x1xf32>,
    %get3A_9 = arith.constant 0 : index
    %get3A_10 = arith.constant 0 : index
    %get3A_11 = vector.load %arg8[%get3A_9, %get3A_10] : memref<1x1xf32, #tpu.memory_space<vmem>>, vector<1x1xf32>
    %get3A_12 = arith.constant 0 : index
    %get3A_13 = arith.constant 0 : index
    %get3A_14 = vector.load %arg4[%get3A_12, %get3A_13] : memref<64x64xf32, #tpu.memory_space<vmem>>, vector<64x64xf32>
    %get3A_15 = arith.constant 0 : index
    %get3A_16 = arith.constant 0 : index
    %get3A_17 = vector.load %arg2[%get3A_15, %get3A_16] : memref<64x64xf32, #tpu.memory_space<vmem>>, vector<64x64xf32>
    %dot_general3A_18 = arith.constant dense<0.000000e+00> : vector<64x64xf32>
    %dot_general3A_19 = tpu.matmul %get3A_17, %get3A_14, %dot_general3A_18 {dimension_numbers = #tpu.dot_dimension_numbers<[1], [0], [0], [1], [0, 0, 1, 1], [], []>, transpose_lhs_hint = false} : vector<64x64xf32>, vector<64x64xf32>, vector<64x64xf32> -> vector<64x64xf32>
    %mul3A = vector.broadcast %get3A_11 : vector<1x1xf32> to vector<64x64xf32>
    %mul3A_20 = arith.mulf %mul3A, %dot_general3A_19 : vector<64x64xf32>
    %swap3A_21 = arith.constant 0 : index
    %swap3A_22 = arith.constant 0 : index
    %swap3A_23 = vector.load %arg10[%swap3A_21, %swap3A_22] : memref<64x64xf32, #tpu.memory_space<vmem>>, vector<64x64xf32>
    tpu.vector_store %arg10[%swap3A_21, %swap3A_22], %mul3A_20 {strides = array<i32>} : memref<64x64xf32, #tpu.memory_space<vmem>>, vector<64x64xf32>,
    %get3A_24 = arith.constant 0 : index
    %get3A_25 = arith.constant 0 : index
    %get3A_26 = vector.load %arg3[%get3A_24, %get3A_25] : memref<64x64xf32, #tpu.memory_space<vmem>>, vector<64x64xf32>
    %dot_general3A_27 = arith.constant dense<0.000000e+00> : vector<64x64xf32>
    %dot_general3A_28 = tpu.matmul %get3A_26, %get3A_14, %dot_general3A_27 {dimension_numbers = #tpu.dot_dimension_numbers<[1], [0], [0], [1], [0, 0, 1, 1], [], []>, transpose_lhs_hint = false} : vector<64x64xf32>, vector<64x64xf32>, vector<64x64xf32> -> vector<64x64xf32>
    %mul3A_29 = vector.broadcast %get3A_11 : vector<1x1xf32> to vector<64x64xf32>
    %mul3A_30 = arith.mulf %mul3A_29, %dot_general3A_28 : vector<64x64xf32>
    %swap3A_31 = arith.constant 0 : index
    %swap3A_32 = arith.constant 0 : index
    %swap3A_33 = vector.load %arg11[%swap3A_31, %swap3A_32] : memref<64x64xf32, #tpu.memory_space<vmem>>, vector<64x64xf32>
    tpu.vector_store %arg11[%swap3A_31, %swap3A_32], %mul3A_30 {strides = array<i32>} : memref<64x64xf32, #tpu.memory_space<vmem>>, vector<64x64xf32>,
    %get3A_34 = arith.constant 0 : index
    %get3A_35 = arith.constant 0 : index
    %get3A_36 = vector.load %arg5[%get3A_34, %get3A_35] : memref<1x64xf32, #tpu.memory_space<vmem>>, vector<1x64xf32>
    %get3A_37 = arith.constant 0 : index
    %get3A_38 = arith.constant 0 : index
    %get3A_39 = vector.load %arg6[%get3A_37, %get3A_38] : memref<1x64xf32, #tpu.memory_space<vmem>>, vector<1x64xf32>
    %add3A = arith.addf %get3A_36, %get3A_39 : vector<1x64xf32>
    %dot_general3A_40 = arith.constant dense<0.000000e+00> : vector<1x64xf32>
    %dot_general3A_41 = tpu.matmul %add3A, %get3A_14, %dot_general3A_40 {dimension_numbers = #tpu.dot_dimension_numbers<[1], [0], [0], [1], [0, 0, 1, 1], [], []>, transpose_lhs_hint = false} : vector<1x64xf32>, vector<64x64xf32>, vector<1x64xf32> -> vector<1x64xf32>
    %get3A_42 = arith.constant 0 : index
    %get3A_43 = arith.constant 0 : index
    %get3A_44 = vector.load %arg7[%get3A_42, %get3A_43] : memref<1x64xf32, #tpu.memory_space<vmem>>, vector<1x64xf32>
    %add3A_45 = arith.addf %dot_general3A_41, %get3A_44 : vector<1x64xf32>
    %mul3A_46 = vector.broadcast %get3A_11 : vector<1x1xf32> to vector<1x64xf32>
    %mul3A_47 = arith.mulf %mul3A_46, %add3A_45 : vector<1x64xf32>
    %swap3A_48 = arith.constant 0 : index
    %swap3A_49 = arith.constant 0 : index
    %swap3A_50 = vector.load %arg12[%swap3A_48, %swap3A_49] : memref<1x64xf32, #tpu.memory_space<vmem>>, vector<1x64xf32>
    tpu.vector_store %arg12[%swap3A_48, %swap3A_49], %mul3A_47 {strides = array<i32>} : memref<1x64xf32, #tpu.memory_space<vmem>>, vector<1x64xf32>,
    %get3A_51 = arith.constant 0 : index
    %get3A_52 = arith.constant 0 : index
    %get3A_53 = vector.load %arg3[%get3A_51, %get3A_52] : memref<64x64xf32, #tpu.memory_space<vmem>>, vector<64x64xf32>
    %reduce_sum3A_54 = arith.constant dense<0.000000e+00> : vector<64xf32>
    %reduce_sum3A_55 = vector.multi_reduction <add>, %get3A_53, %reduce_sum3A_54 [1] : vector<64x64xf32> to vector<64xf32>
    %broadcast_in_dim3A_56 = vector.shape_cast %reduce_sum3A_55 : vector<64xf32> to vector<1x64xf32>
    %swap3A_57 = arith.constant 0 : index
    %swap3A_58 = arith.constant 0 : index
    %swap3A_59 = vector.load %arg13[%swap3A_57, %swap3A_58] : memref<1x64xf32, #tpu.memory_space<vmem>>, vector<1x64xf32>
    tpu.vector_store %arg13[%swap3A_57, %swap3A_58], %broadcast_in_dim3A_56 {strides = array<i32>} : memref<1x64xf32, #tpu.memory_space<vmem>>, vector<1x64xf32>,
    return
  }
}

module attributes {stable_mosaic.version = 14 : i64} {
  func.func @_kc_body(%arg0: i32, %arg1: memref<256x64xf32, #tpu.memory_space<vmem>>, %arg2: memref<256x64xf32, #tpu.memory_space<vmem>>, %arg3: memref<256x64xf32, #tpu.memory_space<vmem>>, %arg4: memref<256x64xf32, #tpu.memory_space<vmem>>, %arg5: memref<3x64xf32, #tpu.memory_space<vmem>>, %arg6: memref<1x64xf32, #tpu.memory_space<vmem>>, %arg7: memref<1x64xf32, #tpu.memory_space<vmem>>, %arg8: memref<256x64xf32, #tpu.memory_space<vmem>>, %arg9: memref<256x64xf32, #tpu.memory_space<vmem>>) attributes {dimension_semantics = [#tpu.dimension_semantics<arbitrary>], iteration_bounds = array<i64: 32>, scalar_prefetch = 0 : i64, scratch_operands = 0 : i64, tpu.core_type = #tpu.core_type<tc>, window_params = [{transform_indices = @transform_0, window_bounds = array<i64: 256, 64>}, {transform_indices = @transform_1, window_bounds = array<i64: 256, 64>}, {transform_indices = @transform_2, window_bounds = array<i64: 256, 64>}, {transform_indices = @transform_3, window_bounds = array<i64: 256, 64>}, {pipeline_mode = #tpu.pipeline_mode<synchronous>, transform_indices = @transform_4, window_bounds = array<i64: 3, 64>}, {pipeline_mode = #tpu.pipeline_mode<synchronous>, transform_indices = @transform_5, window_bounds = array<i64: 1, 64>}, {pipeline_mode = #tpu.pipeline_mode<synchronous>, transform_indices = @transform_6, window_bounds = array<i64: 1, 64>}, {transform_indices = @transform_7, window_bounds = array<i64: 256, 64>}, {transform_indices = @transform_8, window_bounds = array<i64: 256, 64>}]} {
    %get3A = arith.constant 0 : index
    %get3A_0 = arith.constant 0 : index
    %get3A_1 = vector.load %arg1[%get3A, %get3A_0] : memref<256x64xf32, #tpu.memory_space<vmem>>, vector<256x64xf32>
    %get3A_2 = arith.constant 0 : index
    %get3A_3 = arith.constant 0 : index
    %get3A_4 = vector.load %arg2[%get3A_2, %get3A_3] : memref<256x64xf32, #tpu.memory_space<vmem>>, vector<256x64xf32>
    %get3A_5 = arith.constant 0 : index
    %get3A_6 = arith.constant 0 : index
    %get3A_7 = vector.load %arg3[%get3A_5, %get3A_6] : memref<256x64xf32, #tpu.memory_space<vmem>>, vector<256x64xf32>
    %get3A_8 = arith.constant 0 : index
    %get3A_9 = arith.constant 0 : index
    %get3A_10 = vector.load %arg5[%get3A_8, %get3A_9] : memref<3x64xf32, #tpu.memory_space<vmem>>, vector<3x64xf32>
    %get3A_11 = arith.constant 0 : index
    %get3A_12 = arith.constant 0 : index
    %get3A_13 = vector.load %arg6[%get3A_11, %get3A_12] : memref<1x64xf32, #tpu.memory_space<vmem>>, vector<1x64xf32>
    %get3A_14 = arith.constant 0 : index
    %get3A_15 = arith.constant 0 : index
    %get3A_16 = vector.load %arg7[%get3A_14, %get3A_15] : memref<1x64xf32, #tpu.memory_space<vmem>>, vector<1x64xf32>
    %broadcast_in_dim3A = vector.shape_cast %get3A_1 : vector<256x64xf32> to vector<256x64x1xf32>
    %slice3A = vector.extract_strided_slice %get3A_10 {offsets = [0, 0], sizes = [1, 64], strides = [1, 1]} : vector<3x64xf32> to vector<1x64xf32>
    %squeeze3A = vector.shape_cast %slice3A : vector<1x64xf32> to vector<64xf32>
    %broadcast_in_dim3A_17 = vector.shape_cast %squeeze3A : vector<64xf32> to vector<1x1x64xf32>
    %mul3A = vector.broadcast %broadcast_in_dim3A : vector<256x64x1xf32> to vector<256x64x64xf32>
    %mul3A_18 = vector.broadcast %broadcast_in_dim3A_17 : vector<1x1x64xf32> to vector<256x64x64xf32>
    %mul3A_19 = arith.mulf %mul3A, %mul3A_18 : vector<256x64x64xf32>
    %broadcast_in_dim3A_20 = vector.shape_cast %get3A_4 : vector<256x64xf32> to vector<256x64x1xf32>
    %slice3A_21 = vector.extract_strided_slice %get3A_10 {offsets = [1, 0], sizes = [1, 64], strides = [1, 1]} : vector<3x64xf32> to vector<1x64xf32>
    %squeeze3A_22 = vector.shape_cast %slice3A_21 : vector<1x64xf32> to vector<64xf32>
    %broadcast_in_dim3A_23 = vector.shape_cast %squeeze3A_22 : vector<64xf32> to vector<1x1x64xf32>
    %mul3A_24 = vector.broadcast %broadcast_in_dim3A_20 : vector<256x64x1xf32> to vector<256x64x64xf32>
    %mul3A_25 = vector.broadcast %broadcast_in_dim3A_23 : vector<1x1x64xf32> to vector<256x64x64xf32>
    %mul3A_26 = arith.mulf %mul3A_24, %mul3A_25 : vector<256x64x64xf32>
    %add3A = arith.addf %mul3A_19, %mul3A_26 : vector<256x64x64xf32>
    %broadcast_in_dim3A_27 = vector.shape_cast %get3A_7 : vector<256x64xf32> to vector<256x64x1xf32>
    %slice3A_28 = vector.extract_strided_slice %get3A_10 {offsets = [2, 0], sizes = [1, 64], strides = [1, 1]} : vector<3x64xf32> to vector<1x64xf32>
    %squeeze3A_29 = vector.shape_cast %slice3A_28 : vector<1x64xf32> to vector<64xf32>
    %broadcast_in_dim3A_30 = vector.shape_cast %squeeze3A_29 : vector<64xf32> to vector<1x1x64xf32>
    %mul3A_31 = vector.broadcast %broadcast_in_dim3A_27 : vector<256x64x1xf32> to vector<256x64x64xf32>
    %mul3A_32 = vector.broadcast %broadcast_in_dim3A_30 : vector<1x1x64xf32> to vector<256x64x64xf32>
    %mul3A_33 = arith.mulf %mul3A_31, %mul3A_32 : vector<256x64x64xf32>
    %add3A_34 = arith.addf %add3A, %mul3A_33 : vector<256x64x64xf32>
    %squeeze3A_35 = vector.shape_cast %get3A_13 : vector<1x64xf32> to vector<64xf32>
    %broadcast_in_dim3A_36 = vector.shape_cast %squeeze3A_35 : vector<64xf32> to vector<1x1x64xf32>
    %add3A_37 = vector.broadcast %broadcast_in_dim3A_36 : vector<1x1x64xf32> to vector<256x64x64xf32>
    %add3A_38 = arith.addf %add3A_34, %add3A_37 : vector<256x64x64xf32>
    %max3A = arith.constant 0.000000e+00 : f32
    %max3A_39 = vector.broadcast %max3A : f32 to vector<256x64x64xf32>
    %max3A_40 = arith.maximumf %add3A_38, %max3A_39 : vector<256x64x64xf32>
    %squeeze3A_41 = vector.shape_cast %get3A_16 : vector<1x64xf32> to vector<64xf32>
    %broadcast_in_dim3A_42 = vector.shape_cast %squeeze3A_41 : vector<64xf32> to vector<1x1x64xf32>
    %mul3A_43 = vector.broadcast %broadcast_in_dim3A_42 : vector<1x1x64xf32> to vector<256x64x64xf32>
    %mul3A_44 = arith.mulf %max3A_40, %mul3A_43 : vector<256x64x64xf32>
    %reduce_sum3A = arith.constant dense<0.000000e+00> : vector<256x64xf32>
    %reduce_sum3A_45 = vector.multi_reduction <add>, %mul3A_44, %reduce_sum3A [2] : vector<256x64x64xf32> to vector<256x64xf32>
    %get3A_46 = arith.constant 0 : index
    %get3A_47 = arith.constant 0 : index
    %get3A_48 = vector.load %arg4[%get3A_46, %get3A_47] : memref<256x64xf32, #tpu.memory_space<vmem>>, vector<256x64xf32>
    %sub3A = arith.subf %reduce_sum3A_45, %get3A_48 : vector<256x64xf32>
    %reduce_max3A = arith.constant dense<0xFF800000> : vector<256xf32>
    %reduce_max3A_49 = vector.multi_reduction <maximumf>, %sub3A, %reduce_max3A [1] : vector<256x64xf32> to vector<256xf32>
    %broadcast_in_dim3A_50 = vector.shape_cast %reduce_max3A_49 : vector<256xf32> to vector<256x1xf32>
    %sub3A_51 = vector.broadcast %broadcast_in_dim3A_50 : vector<256x1xf32> to vector<256x64xf32>
    %sub3A_52 = arith.subf %sub3A, %sub3A_51 : vector<256x64xf32>
    %exp3A = math.exp %sub3A_52 : vector<256x64xf32>
    %reduce_sum3A_53 = arith.constant dense<0.000000e+00> : vector<256xf32>
    %reduce_sum3A_54 = vector.multi_reduction <add>, %exp3A, %reduce_sum3A_53 [1] : vector<256x64xf32> to vector<256xf32>
    %broadcast_in_dim3A_55 = vector.shape_cast %reduce_sum3A_54 : vector<256xf32> to vector<256x1xf32>
    %div3A = vector.broadcast %broadcast_in_dim3A_55 : vector<256x1xf32> to vector<256x64xf32>
    %div3A_56 = arith.divf %exp3A, %div3A : vector<256x64xf32>
    %swap3A = arith.constant 0 : index
    %swap3A_57 = arith.constant 0 : index
    %swap3A_58 = vector.load %arg8[%swap3A, %swap3A_57] : memref<256x64xf32, #tpu.memory_space<vmem>>, vector<256x64xf32>
    tpu.vector_store %arg8[%swap3A, %swap3A_57], %div3A_56 {strides = array<i32>} : memref<256x64xf32, #tpu.memory_space<vmem>>, vector<256x64xf32>,
    %broadcast_in_dim3A_59 = vector.shape_cast %div3A_56 : vector<256x64xf32> to vector<256x64x1xf32>
    %mul3A_60 = vector.broadcast %broadcast_in_dim3A_59 : vector<256x64x1xf32> to vector<256x64x64xf32>
    %mul3A_61 = arith.mulf %mul3A_60, %max3A_40 : vector<256x64x64xf32>
    %reduce_sum3A_62 = arith.constant dense<0.000000e+00> : vector<256x64xf32>
    %reduce_sum3A_63 = vector.multi_reduction <add>, %mul3A_61, %reduce_sum3A_62 [1] : vector<256x64x64xf32> to vector<256x64xf32>
    %swap3A_64 = arith.constant 0 : index
    %swap3A_65 = arith.constant 0 : index
    %swap3A_66 = vector.load %arg9[%swap3A_64, %swap3A_65] : memref<256x64xf32, #tpu.memory_space<vmem>>, vector<256x64xf32>
    tpu.vector_store %arg9[%swap3A_64, %swap3A_65], %reduce_sum3A_63 {strides = array<i32>} : memref<256x64xf32, #tpu.memory_space<vmem>>, vector<256x64xf32>,
    return
  }
  func.func @transform_0(%arg0: i32) -> (i32, i32) {
    %c0_i32 = arith.constant 0 : i32
    %c0_i32_0 = arith.constant 0 : i32
    return %arg0, %c0_i32 : i32, i32
  }
  func.func @transform_1(%arg0: i32) -> (i32, i32) {
    %c0_i32 = arith.constant 0 : i32
    %c0_i32_0 = arith.constant 0 : i32
    return %arg0, %c0_i32 : i32, i32
  }
  func.func @transform_2(%arg0: i32) -> (i32, i32) {
    %c0_i32 = arith.constant 0 : i32
    %c0_i32_0 = arith.constant 0 : i32
    return %arg0, %c0_i32 : i32, i32
  }
  func.func @transform_3(%arg0: i32) -> (i32, i32) {
    %c0_i32 = arith.constant 0 : i32
    %c0_i32_0 = arith.constant 0 : i32
    return %arg0, %c0_i32 : i32, i32
  }
  func.func @transform_4(%arg0: i32) -> (i32, i32) {
    %c0_i32 = arith.constant 0 : i32
    %c0_i32_0 = arith.constant 0 : i32
    %c0_i32_1 = arith.constant 0 : i32
    return %c0_i32, %c0_i32_0 : i32, i32
  }
  func.func @transform_5(%arg0: i32) -> (i32, i32) {
    %c0_i32 = arith.constant 0 : i32
    %c0_i32_0 = arith.constant 0 : i32
    %c0_i32_1 = arith.constant 0 : i32
    return %c0_i32, %c0_i32_0 : i32, i32
  }
  func.func @transform_6(%arg0: i32) -> (i32, i32) {
    %c0_i32 = arith.constant 0 : i32
    %c0_i32_0 = arith.constant 0 : i32
    %c0_i32_1 = arith.constant 0 : i32
    return %c0_i32, %c0_i32_0 : i32, i32
  }
  func.func @transform_7(%arg0: i32) -> (i32, i32) {
    %c0_i32 = arith.constant 0 : i32
    %c0_i32_0 = arith.constant 0 : i32
    return %arg0, %c0_i32 : i32, i32
  }
  func.func @transform_8(%arg0: i32) -> (i32, i32) {
    %c0_i32 = arith.constant 0 : i32
    %c0_i32_0 = arith.constant 0 : i32
    return %arg0, %c0_i32 : i32, i32
  }
}

module attributes {stable_mosaic.version = 14 : i64} {
  func.func @_ke_body(%arg0: i32, %arg1: memref<2048x64xf32, #tpu.memory_space<vmem>>, %arg2: memref<2048x64xf32, #tpu.memory_space<vmem>>, %arg3: memref<2048x64xf32, #tpu.memory_space<vmem>>, %arg4: memref<64x64xf32, #tpu.memory_space<vmem>>, %arg5: memref<64x64xf32, #tpu.memory_space<vmem>>, %arg6: memref<1x64xf32, #tpu.memory_space<vmem>>, %arg7: memref<2048x64xf32, #tpu.memory_space<vmem>>) attributes {dimension_semantics = [#tpu.dimension_semantics<arbitrary>], iteration_bounds = array<i64: 4>, scalar_prefetch = 0 : i64, scratch_operands = 0 : i64, tpu.core_type = #tpu.core_type<tc>, window_params = [{transform_indices = @transform_0, window_bounds = array<i64: 2048, 64>}, {transform_indices = @transform_1, window_bounds = array<i64: 2048, 64>}, {transform_indices = @transform_2, window_bounds = array<i64: 2048, 64>}, {pipeline_mode = #tpu.pipeline_mode<synchronous>, transform_indices = @transform_3, window_bounds = array<i64: 64, 64>}, {pipeline_mode = #tpu.pipeline_mode<synchronous>, transform_indices = @transform_4, window_bounds = array<i64: 64, 64>}, {pipeline_mode = #tpu.pipeline_mode<synchronous>, transform_indices = @transform_5, window_bounds = array<i64: 1, 64>}, {transform_indices = @transform_6, window_bounds = array<i64: 2048, 64>}]} {
    %get3A = arith.constant 0 : index
    %get3A_0 = arith.constant 0 : index
    %get3A_1 = vector.load %arg1[%get3A, %get3A_0] : memref<2048x64xf32, #tpu.memory_space<vmem>>, vector<2048x64xf32>
    %get3A_2 = arith.constant 0 : index
    %get3A_3 = arith.constant 0 : index
    %get3A_4 = vector.load %arg2[%get3A_2, %get3A_3] : memref<2048x64xf32, #tpu.memory_space<vmem>>, vector<2048x64xf32>
    %get3A_5 = arith.constant 0 : index
    %get3A_6 = arith.constant 0 : index
    %get3A_7 = vector.load %arg4[%get3A_5, %get3A_6] : memref<64x64xf32, #tpu.memory_space<vmem>>, vector<64x64xf32>
    %dot_general3A = arith.constant dense<0.000000e+00> : vector<2048x64xf32>
    %dot_general3A_8 = tpu.matmul %get3A_4, %get3A_7, %dot_general3A {dimension_numbers = #tpu.dot_dimension_numbers<[1], [0], [0], [1], [0, 0, 1, 1], [], []>, transpose_lhs_hint = false} : vector<2048x64xf32>, vector<64x64xf32>, vector<2048x64xf32> -> vector<2048x64xf32>
    %add3A = arith.addf %get3A_1, %dot_general3A_8 : vector<2048x64xf32>
    %get3A_9 = arith.constant 0 : index
    %get3A_10 = arith.constant 0 : index
    %get3A_11 = vector.load %arg3[%get3A_9, %get3A_10] : memref<2048x64xf32, #tpu.memory_space<vmem>>, vector<2048x64xf32>
    %get3A_12 = arith.constant 0 : index
    %get3A_13 = arith.constant 0 : index
    %get3A_14 = vector.load %arg5[%get3A_12, %get3A_13] : memref<64x64xf32, #tpu.memory_space<vmem>>, vector<64x64xf32>
    %dot_general3A_15 = arith.constant dense<0.000000e+00> : vector<2048x64xf32>
    %dot_general3A_16 = tpu.matmul %get3A_11, %get3A_14, %dot_general3A_15 {dimension_numbers = #tpu.dot_dimension_numbers<[1], [0], [0], [1], [0, 0, 1, 1], [], []>, transpose_lhs_hint = false} : vector<2048x64xf32>, vector<64x64xf32>, vector<2048x64xf32> -> vector<2048x64xf32>
    %add3A_17 = arith.addf %add3A, %dot_general3A_16 : vector<2048x64xf32>
    %get3A_18 = arith.constant 0 : index
    %get3A_19 = arith.constant 0 : index
    %get3A_20 = vector.load %arg6[%get3A_18, %get3A_19] : memref<1x64xf32, #tpu.memory_space<vmem>>, vector<1x64xf32>
    %add3A_21 = vector.broadcast %get3A_20 : vector<1x64xf32> to vector<2048x64xf32>
    %add3A_22 = arith.addf %add3A_17, %add3A_21 : vector<2048x64xf32>
    %swap3A = arith.constant 0 : index
    %swap3A_23 = arith.constant 0 : index
    %swap3A_24 = vector.load %arg7[%swap3A, %swap3A_23] : memref<2048x64xf32, #tpu.memory_space<vmem>>, vector<2048x64xf32>
    tpu.vector_store %arg7[%swap3A, %swap3A_23], %add3A_22 {strides = array<i32>} : memref<2048x64xf32, #tpu.memory_space<vmem>>, vector<2048x64xf32>,
    return
  }
  func.func @transform_0(%arg0: i32) -> (i32, i32) {
    %c0_i32 = arith.constant 0 : i32
    %c0_i32_0 = arith.constant 0 : i32
    return %arg0, %c0_i32 : i32, i32
  }
  func.func @transform_1(%arg0: i32) -> (i32, i32) {
    %c0_i32 = arith.constant 0 : i32
    %c0_i32_0 = arith.constant 0 : i32
    return %arg0, %c0_i32 : i32, i32
  }
  func.func @transform_2(%arg0: i32) -> (i32, i32) {
    %c0_i32 = arith.constant 0 : i32
    %c0_i32_0 = arith.constant 0 : i32
    return %arg0, %c0_i32 : i32, i32
  }
  func.func @transform_3(%arg0: i32) -> (i32, i32) {
    %c0_i32 = arith.constant 0 : i32
    %c0_i32_0 = arith.constant 0 : i32
    %c0_i32_1 = arith.constant 0 : i32
    return %c0_i32, %c0_i32_0 : i32, i32
  }
  func.func @transform_4(%arg0: i32) -> (i32, i32) {
    %c0_i32 = arith.constant 0 : i32
    %c0_i32_0 = arith.constant 0 : i32
    %c0_i32_1 = arith.constant 0 : i32
    return %c0_i32, %c0_i32_0 : i32, i32
  }
  func.func @transform_5(%arg0: i32) -> (i32, i32) {
    %c0_i32 = arith.constant 0 : i32
    %c0_i32_0 = arith.constant 0 : i32
    %c0_i32_1 = arith.constant 0 : i32
    return %c0_i32, %c0_i32_0 : i32, i32
  }
  func.func @transform_6(%arg0: i32) -> (i32, i32) {
    %c0_i32 = arith.constant 0 : i32
    %c0_i32_0 = arith.constant 0 : i32
    return %arg0, %c0_i32 : i32, i32
  }
}

</mosaic_0001>

<sc_bundles>
// kernel: sparse-core-data-format-call.cloned.1.call-start
scs
called_computation_lowered:
.L_overlay_start_0:
0x0: {  	s1 =	sld [smem:$0x3FD9]  }
0x1: {  	s2 =	sld [smem:$0x3FFE];
	_ =	sdelay $0x1  }
0x2: {  	s3 =	srdreg.scid  }
0x3: {  	s0 =	sand.u32 $0x1, s3  }
0x4: {  	s17 =	sshll.u32 s0, $0xA;
	s1 =	sadd.s32 s2, s1  }
0x5: {  	s1 =	sadd.s32 s1, s17  }
0x6: {  	[smem:$0x3FBC] =	sst s1  }
0x7: {  	_ = 	snop  }
0x8: {  	(tm) =	ssettm $0x1  }
0x9: {  	s18 =	sld [smem:$0x3FFB];
	_ =	sdelay $0x3  }
0xa: {  	_ =	strace s18  }
0xb: {  	s1 =	sld [smem:$0x3FFC];
	_ =	sdelay $0x3  }
0xc: {  	_ =	strace s1  }
0xd: {  	s1 =	sld [smem:$0x3FFD];
	_ =	sdelay $0x3  }
0xe: {  	_ =	strace s1  }
0xf: {  	_ =	strace $0x8FFFFFFF  }
0x10: {  	s19 =	sld [smem:$0x3FDB];
	_ =	sdelay $0x1  }
0x11: {  	s20 =	simm.s32 $_scs_section_size  }
0x12: {  	s4 =	simm.s32 $_size__tile_overlayer_lowered;
	s5 =	simm.s32 $_tile_overlayer_lowered  }
0x13: {  	s23 =	simm.s32 $0x1BFF;
	s22 =	sshll.u32 s5, $0x1;
	s1 =	sadd.s32 s20, s19  }
0x14: {  	s6 =	simm.s32 $0x0;
	s21 =	sshll.u32 s4, $0x1;
	s4 =	sadd.s32 s22, s1  }
0x15: {  	[timem:s6], [sflag:s23] =	dma.local [hbm:s4], s21  }
0x16: {  	_ =	swait.ge [sflag:s23], s21  }
0x17: {  	s2 =	ssub.s32 $0x0, s21;
	[sflag:s23] =	ssyncset.done $0x0  }
0x18: {  	[sflag:s23] =	ssyncadd.s32 s2;
	_ =	sdelay $0x1  }
0x19: {  	s24 =	simm.s32 $0x1B8B  }
0x1a: {  	_ =	swait.ge [sflag:s24], $0x1  }
0x1b: {  	[sflag:s24] =	ssyncset.done $0x0  }
0x1c: {  	s26 =	simm.s32 $0x1B8E;
	s25 =	sld [smem:$0x3FFE];
	[sflag:s24] =	ssyncadd.s32 $0xFFFFFFFF  }
0x1d: {  	s27 =	simm.s32 $execute0_lowered;
	[smem:$0x3FD2] =	sst s26  }
0x1e: {  	s4 =	sshll.u32 s27, $0x1;
	_ =	strace $0x80000046;
	[dreg:$0x1] =	wrdreg $0xFFFFFFFF  }
0x1f: {  	s28 =	simm.s32 $_size_execute0_lowered;
	s1 =	sadd.s32 s1, s4;
	[dreg:$0x0] =	wrdreg $0x0  }
0x20: {  	s4 =	sshll.u32 s28, $0x1;
	[dreg:$0x2] =	wrdreg s1  }
0x21: {  	[dreg:$0x3] =	wrdreg s4  }
0x22: {  	[dreg:$0x4] =	wrdreg $0xC0  }
0x23: {  	_ =	task [dreg:s6], $0x5FFFF  }
0x24: {  	[dreg:$0x1] =	wrdreg $0xFFFFFFFF  }
0x25: {  	[dreg:$0x0] =	wrdreg $0x60  }
0x26: {  	[dreg:$0x2] =	wrdreg s25  }
0x27: {  	[dreg:$0x3] =	wrdreg $0x9  }
0x28: {  	_ =	task.clear_ibuf [dreg:s6], $0x4FFFF;
	_ =	strace $0x90000046  }
0x29: {  	s29 =	simm.s32 $0x9;
	_ =	strace $0x80000048  }
0x2a: {  	_ =	swait.ge [sflag:s29], $0x1  }
0x2b: {  	[sflag:s29] =	ssyncadd.s32 $0xFFFFFFFF  }
0x2c: {  	_ =	strace $0x90000048  }
0x2d: {  	_ =	sfence  }
0x2e: {  	s30 =	sld [smem:$0x0];
	_ =	sdelay $0x2  }
0x2f: {  	s31 =	sshll.u32 s3, $0xD;
	s3 =	sshrl.u32 s3, $0x2  }
0x30: {  	s2 =	sand.u32 $0x4000, s31;
	s1 =	sadd.s32 s3, s30  }
0x31: {  	s0 =	sor.u32 s2, s0;
	s1 =	sshll.u32 s1, $0x11  }
0x32: {  	s0 =	sor.u32 s1, s0  }
0x33: {  	s0 =	sadd.s32 $0x8F2B, s0  }
0x34: {  	[sflag:s0] =	ssyncadd.remote.s32 $0x1  }
0x35: {  	_ =	sfence.sel $0xFFFF  }
0x36: {  	[dreg:$0x0] =	wrdreg $0xFFFFFFFF;
	(pc) =	sbr.abs _section_cstart, $3  }
0x37: {  	[dreg:$0x1] =	wrdreg $0xFFFFFFFF  }
0x38: {  	_ =	task.clear_ibuf [dreg:s6], $0x2FFFF;
	_ =	strace $0x9FFFFFFF  }
0x39: {  	(tm) =	ssettm $0x7FFFFFFF  }
tec
execute0_lowered:
.L_overlay_start_1:
0x0: {  	(tag) =	ssettag $0x1  }
0x1: {  	s0 =	stileid.u32;
	s1 =	srdreg.scid  }
0x2: {  	s4 =	rddreg [dreg:$0x0];
	s7 =	simm.s32 $0x1;
	s31 =	simm.s32 $0x2  }
0x3: {  	s16 =	simm.s32 $0x0;
	s2 =	sshll.u32 s0, $0x5;
	s1 =	sshll.u32 s1, $0x9  }
0x4: {  	s9 =	simm.s32 $0x4000;
	s14 =	simm.s32 $0x0;
	s1 =	sor.u32 s2, s1  }
0x5: {  	s15 =	simm.s32 $0x0;
	s10 =	simm.s32 $0x0;
	s2 =	sand.u32 $0x380, s1  }
0x6: {  	s13 =	simm.s32 $0x0;
	s3 =	sadd.s32 $0x1000, s4;
	s5 =	ssub.s32 $0x800, s2  }
0x7: {  	s4 =	sadd.s32 $0x201000, s4;
	s1 =	rddreg [dreg:$0x1];
	s6 =	sand.u32 $0x380, s5  }
.Ltmp0:
0x8: {  	_ =	strace $0x80000047;
	p0 =	sne.s32 s6, $0x0;
	(pc) =	sbr.rel .LBB1_1-.Ltmp0, $4  }
0x9: {  	s11 =	smov.u32 s2;
	s8 =	sshrl.u32 s5, $0xA;
	s7 =	simm.s32 @!p0 $0x0  }
0xa: {  	s5 =	sand.u32 $0x3, s0;
	s6 =	simm.s32 $0x1;
	s7 =	sadd.s32 s7, s8  }
0xb: {  	s12 =	smov.u32 s5;
	[sflag:s6] =	ssyncpa.u1 $0x0;
	s7 =	sshll.u32 s7, $0x4  }
0xc: {  	p0 =	por $0x0, $0x0;
	[sflag:s31] =	ssyncpa.u1 $0x0;
	s8 =	sor.u32 $0x1, s7  }
.LBB1_4:
0xd: {  	v5 =	vld [tilespmem:s19+$0xFFFFFFD0]  }
0xe: {  	[tilespmem:s20+$0x2040 ss:$0x81] =	vst.msk $0xffff, v1;
	v58 =	vld [tilespmem:s19+$0xFFFFFFE0]  }
0xf: {  	[tilespmem:s20+$0x2850 ss:$0x81] =	vst.msk $0xffff, v2;
	v59 =	vld [tilespmem:s19+$0xFFFFFFF0]  }
0x10: {  	s21 =	sshra.s32 s21, $0x2;
	[tilespmem:s20+$0x3060 ss:$0x81] =	vst.msk $0xffff, v3;
	v60 =	vld [tilespmem:s19+$0x0]  }
0x11: {  	[tilespmem:s20+$0x0 ss:$0x81] =	vst.msk $0xffff, v0;
	v61 =	vld [tilespmem:s19+$0x10];
	s18 =	sadd.s32 s21, s18  }
0x12: {  	s26 =	sshll.u32 s16, $0xB;
	v62 =	vld [tilespmem:s19+$0x20];
	[tilespmem:s18+$0x3870 ss:$0x81] =	vst.msk $0xffff, v4  }
0x13: {  	s27 =	sand.u32 $0x78, s14;
	s22 =	sshll.u32 s14, $0x3;
	v63 =	vld [tilespmem:s19+$0xFFFFFFC0];
	s29 =	sshll.u32 s16, $0x7;
	[tilespmem:s18+$0x810 ss:$0x81] =	vst.msk $0xffff, v5  }
0x14: {  	s15 =	sshll.u32 s15, $0x13;
	s20 =	sand.u32 $0x3FC000, s26;
	s28 =	sand.u32 $0x3FFC00, s22;
	[tilespmem:s18+$0x1020 ss:$0x81] =	vst.msk $0xffff, v58  }
0x15: {  	s31 =	sand.u32 $0x7, s14;
	s22 =	sand.u32 $0x400, s22;
	s19 =	sadd.s32 s28, s20;
	[tilespmem:s18+$0x1830 ss:$0x81] =	vst.msk $0xffff, v59  }
0x16: {  	s16 =	sand.u32 $0x380, s29;
	s30 =	sor.u32 s27, s22;
	s19 =	sshrl.u32 s19, $0x3;
	[tilespmem:s18+$0x2040 ss:$0x81] =	vst.msk $0xffff, v60  }
0x17: {  	s15 =	sadd.s32 s4, s15;
	s16 =	sor.u32 s16, s30;
	s19 =	sand.u32 $0x7FF00, s19;
	[tilespmem:s18+$0x2850 ss:$0x81] =	vst.msk $0xffff, v61  }
0x18: {  	s14 =	sshll.u32 s31, $0x12;
	s16 =	sshrl.u32 s16, $0x3;
	[tilespmem:s18+$0x3060 ss:$0x81] =	vst.msk $0xffff, v62;
	s15 =	sadd.s32 s19, s15  }
0x19: {  	s14 =	sor.u32 $0x400, s14;
	[tilespmem:s18+$0x0 ss:$0x81] =	vst.msk $0xffff, v63;
	s15 =	sadd.s32 s16, s15  }
0x1a: {  	[hbm4b:s15+s14] =	stream.strided.scatter [tilespmem:s17], [sflag:$0x2], $0x4000, s9, s14, $0x20;
	[tilespmem:$0x10100] =	vst v63  }
.LBB1_5:
0x1b: {  	s17 =	sadd.s32 $0x80, s10  }
0x1c: {  	s14 =	sadd.s32 $0x400, s11;
	s18 =	smov.u32 s11;
	p2 =	sgt.s32 s17, $0x7FF  }
0x1d: {  	s18 =	smov.u32 @p2 s14  }
0x1e: {  	s20 =	smov.u32 s12;
	s14 =	sadd.s32 $0x4, s12;
	p3 =	sgt.s32 s18, $0x7FF  }
0x1f: {  	s20 =	smov.u32 @p3 s14  }
0x20: {  	s17 =	simm.s32 @p2 $0x0;
	p2 =	sgt.s32 s20, $0x3  }
0x21: {  	p1 =	slt.u32 s13, $0x2;
	s20 =	smov.u32 @p2 s5;
	p2 =	sne.s32 s13, s8  }
.Ltmp1:
0x22: {  	s19 =	simm.s32 @!p1 $0x2;
	(pc) =	sbr.rel @!p2 .LBB1_6-.Ltmp1, $4  }
0x23: {  	s16 =	smov.u32 s10;
	s15 =	smov.u32 s12;
	_ =	swait.ge @!p1 [sflag:s19], $0x4000  }
0x24: {  	p0 =	por !p0, !p0;
	[sflag:s19] =	ssyncset.done @!p1 $0x0;
	s10 =	smov.u32 s17  }
0x25: {  	s18 =	smov.u32 @p3 s2;
	s14 =	smov.u32 s11;
	[sflag:s19] =	ssyncadd.s32 @!p1 $0xFFFFC000  }
0x26: {  	s11 =	smov.u32 s18;
	s13 =	sadd.s32 $0x1, s13;
	s12 =	smov.u32 s20  }
.LBB1_1:
0x27: {  	p1 =	sge.u32 s13, s7;
	s31 =	sadd.s32 $0xFFFFFFFF, s13  }
0x28: {  	s17 =	sxor.u32 @!p1 $0xFFFFFFFF, s13;
	s18 =	sand.u32 @!p1 $0x78, s10;
	s19 =	sshll.u32 @!p1 s11, $0xB  }
0x29: {  	s20 =	sshll.u32 @!p1 s11, $0x7;
	s21 =	sshll.u32 @!p1 s10, $0x3;
	s17 =	sshll.u32 @!p1 s17, $0xE  }
0x2a: {  	s19 =	sand.u32 @!p1 $0x3FC000, s19;
	s20 =	sand.u32 @!p1 $0x380, s20;
	s17 =	sand.u32 @!p1 $0x4000, s17  }
0x2b: {  	s19 =	sadd.s32 @!p1 s19, s21;
	s21 =	sand.u32 @!p1 $0x400, s21;
	s18 =	sor.u32 @!p1 s20, s18  }
0x2c: {  	s20 =	sshll.u32 @!p1 s12, $0x13;
	s18 =	sor.u32 @!p1 s21, s18;
	s19 =	sshrl.u32 @!p1 s19, $0x3  }
0x2d: {  	s20 =	sadd.s32 @!p1 s3, s20;
	s21 =	sand.u32 @!p1 $0x7, s10;
	s19 =	sand.u32 @!p1 $0x7FF00, s19  }
0x2e: {  	s18 =	sshrl.u32 @!p1 s18, $0x3;
	s19 =	sadd.s32 @!p1 s19, s20;
	s20 =	sshll.u32 @!p1 s21, $0x12  }
0x2f: {  	s18 =	sadd.s32 @!p1 s18, s19;
	s19 =	sor.u32 @!p1 $0x400, s20;
	s20 =	simm.s32 @!p1 $0x4000  }
0x30: {  	[tilespmem:s17], [sflag:$0x1] =	stream.strided.gather @!p1 [hbm4b:s18+s19], $0x4000, s20, s19, $0x38;
	[tilespmem:$0x10100] =	vst v63  }
0x31: {  	p1 =	sge.u32 s31, s7  }
.Ltmp2:
0x32: {  	_ = 	snop;
	(pc) =	sbr.rel @p1 .LBB1_5-.Ltmp2, $1  }
0x33: {  	_ =	sdelay $0x3  }
0x34: {  	s17 =	simm.s32 $0x1  }
0x35: {  	_ =	swait.ge [sflag:s6], $0x4000;
	s17 =	simm.s32 @!p0 $0x0  }
0x36: {  	[sflag:s6] =	ssyncset.done $0x0;
	s18 =	sshll.u32 s17, $0xE  }
0x37: {  	[sflag:s6] =	ssyncadd.s32 $0xFFFFC000;
	s19 =	sor.u32 $0x40, s18  }
0x38: {  	s17 =	smul.u32 $0x10200, s17;
	v0 =	vld [tilespmem:s19+$0x30]  }
0x39: {  	v3 =	vld [tilespmem:s19+$0xFFFFFFD0]  }
0x3a: {  	s17 =	sshrl.u32 s17, $0x2;
	v4 =	vld [tilespmem:s19+$0xFFFFFFE0]  }
0x3b: {  	v5 =	vld [tilespmem:s19+$0xFFFFFFF0];
	s18 =	sor.u32 $0x8000, s17  }
0x3c: {  	s31 =	sand.u32 $0x1, s13;
	v1 =	vld [tilespmem:s19+$0x0];
	s20 =	sadd.s32 $0x0, s18  }
0x3d: {  	v2 =	vld [tilespmem:s19+$0x10];
	s17 =	smul.u32 $0x10200, s31;
	[tilespmem:s20+$0x3870 ss:$0x81] =	vst.msk $0xffff, v0  }
0x3e: {  	[tilespmem:s20+$0x810 ss:$0x81] =	vst.msk $0xffff, v3;
	v3 =	vld [tilespmem:s19+$0x20]  }
0x3f: {  	s17 =	sshrl.u32 s17, $0x2;
	v0 =	vld [tilespmem:s19+$0xFFFFFFC0];
	[tilespmem:s20+$0x1020 ss:$0x81] =	vst.msk $0xffff, v4;
	s19 =	sadd.s32 $0x80, s19  }
0x40: {  	s21 =	simm.s32 $0x4;
	s22 =	simm.s32 $0x8;
	s17 =	sor.u32 $0x8000, s17;
	[tilespmem:s20+$0x1830 ss:$0x81] =	vst.msk $0xffff, v5;
	v4 =	vld [tilespmem:s19+$0x30]  }
.LBB1_3:
0x41: {  	p1 =	sne.s32 s22, $0x1FC;
	v5 =	vld [tilespmem:s19+$0xFFFFFFD0];
	[tilespmem:s20+$0x2040 ss:$0x81] =	vst.msk $0xffff, v1  }
0x42: {  	v6 =	vld [tilespmem:s19+$0xFFFFFFE0];
	[tilespmem:s20+$0x2850 ss:$0x81] =	vst.msk $0xffff, v2  }
0x43: {  	s23 =	sshra.s32 s21, $0x2;
	s21 =	smov.u32 s22;
	v7 =	vld [tilespmem:s19+$0xFFFFFFF0];
	[tilespmem:s20+$0x3060 ss:$0x81] =	vst.msk $0xffff, v3  }
.Ltmp3:
0x44: {  	v1 =	vld [tilespmem:s19+$0x0];
	[tilespmem:s20+$0x0 ss:$0x81] =	vst.msk $0xffff, v0;
	s20 =	sadd.s32 s23, s18;
	(pc) =	sbr.rel @p1 .LBB1_3-.Ltmp3, $4  }
0x45: {  	v2 =	vld [tilespmem:s19+$0x10];
	[tilespmem:s20+$0x3870 ss:$0x81] =	vst.msk $0xffff, v4  }
0x46: {  	[tilespmem:s20+$0x810 ss:$0x81] =	vst.msk $0xffff, v5;
	v3 =	vld [tilespmem:s19+$0x20]  }
0x47: {  	v0 =	vld [tilespmem:s19+$0xFFFFFFC0];
	[tilespmem:s20+$0x1020 ss:$0x81] =	vst.msk $0xffff, v6;
	s19 =	sadd.s32 $0x80, s19  }
0x48: {  	s22 =	sadd.s32 $0x4, s22;
	v4 =	vld [tilespmem:s19+$0x30];
	[tilespmem:s20+$0x1830 ss:$0x81] =	vst.msk $0xffff, v7  }
.Ltmp4:
0x49: {  	_ = 	snop;
	(pc) =	sbr.rel .LBB1_4-.Ltmp4, $1  }
0x4a: {  	_ =	sdelay $0x3  }
.LBB1_6:
0x4b: {  	_ =	sfence.sel $0x180000  }
0x4c: {  	s2 =	simm.s32 $0x1;
	[bflag:$0x0] =	sbarrier.arrive $0xFFFF  }
0x4d: {  	s31 =	simm.s32 $0x2;
	[sflag:s2] =	ssyncpa.u1 $0x1  }
0x4e: {  	[sflag:s31] =	ssyncpa.u1 $0x1  }
0x4f: {  	p0 =	sne.s32 s0, $0x0;
	_ =	strace $0x90000047  }
0x50: {  	s0 =	sadd.s32 @!p0 $0x100000, s1;
	[bflag:$0x2] =	sbarrier.arrive $0xFFFF  }
0x51: {  	[sflag:s0] =	ssyncadd.tile.s32 @!p0 $0x1;
	_ =	shalt  }
.Lfunc_end1:
_tile_overlayer_lowered:
.L_overlay_start_2:
0x52: {  	(tag) =	ssettag $0x2  }
0x53: {  	s0 =	rddreg [dreg:$0x0];
	s2 =	stileid.u32  }
0x54: {  	s1 =	rddreg [dreg:$0x1];
	p0 =	sne.s32 s2, $0x0  }
0x55: {  	s3 =	rddreg [dreg:$0x2];
	[bflag:$0x3] =	sbarrier.arrive $0xFFFF;
	s2 =	simm.s32 @!p0 $0x1C01  }
0x56: {  	[timem:s3], [sflag:s2] =	dma.local @!p0 [hbm:s0], s1  }
0x57: {  	s0 =	simm.s32 @!p0 $0x1  }
0x58: {  	_ =	swait.ge @!p0 [sflag:s0], s1  }
0x59: {  	s1 =	ssub.s32 @!p0 $0x0, s1;
	[sflag:s0] =	ssyncset.done @!p0 $0x0  }
0x5a: {  	[sflag:s0] =	ssyncadd.s32 @!p0 s1  }
0x5b: {  	[bflag:$0x3] =	sbarrier.arrive $0xFFFF  }
0x5c: {  	_ =	shalt  }

</sc_bundles>
